<compile_context>
chip_gen: v7x
topology: tpu7x:2x2x1
jax: 0.10.2.dev20260603
libtpu: 0.0.44.dev20260713+nightly
codegen_flags: <defaults>
</compile_context>

<pallas_src>
import functools

import jax
import jax.numpy as jnp
from jax import lax
from jax.experimental import pallas as pl
from jax.experimental.pallas import tpu as pltpu
from jax.experimental.pallas import tpu_sc as plsc

N_NODES = 10000
N_EDGES = 320000
D = 128

NC = 2
NS = 16
NW = NC * NS
PER_W = N_EDGES // NW
CHUNK = 80
NCH = PER_W // CHUNK


def _mm_body(x_ref, w_ref, b_ref, y_ref):
    y_ref[...] = lax.dot_general(
        x_ref[...], w_ref[...], (((1,), (1,)), ((), ())),
        preferred_element_type=jnp.float32,
    ) + b_ref[0:1, :]


def _transform(x, W, b):
    blk = 2000
    return pl.pallas_call(
        _mm_body,
        grid=(N_NODES // blk,),
        in_specs=[
            pl.BlockSpec((blk, D), lambda i: (i, 0)),
            pl.BlockSpec((D, D), lambda i: (0, 0)),
            pl.BlockSpec((8, D), lambda i: (0, 0)),
        ],
        out_specs=pl.BlockSpec((blk, D), lambda i: (i, 0)),
        out_shape=jax.ShapeDtypeStruct((N_NODES, D), jnp.float32),
    )(x, W, jnp.broadcast_to(b.reshape(1, D), (8, D)))


NBUF = 5
PREF = 4


def _gather_body(y_hbm, idx_hbm, out_hbm, idx_v, rows, gsems, osems):
    wid = lax.axis_index("s") * NC + lax.axis_index("c")
    base = wid * PER_W
    pltpu.sync_copy(idx_hbm.at[pl.ds(base, PER_W)], idx_v)

    for j in range(PREF):
        pltpu.async_copy(y_hbm.at[idx_v.at[pl.ds(j * CHUNK, CHUNK)]], rows[j], gsems[j])

    @pl.loop(0, NCH, step=NBUF)
    def _group(c):
        for j in range(NBUF):
            ch = c + j
            pltpu.make_async_copy(y_hbm.at[idx_v.at[pl.ds(ch * CHUNK, CHUNK)]], rows[j], gsems[j]).wait()
            pltpu.async_copy(
                rows[j], out_hbm.at[pl.ds(base + ch * CHUNK, CHUNK)], osems[j])
            k = (j + PREF) % NBUF

            @pl.when(ch + PREF < NCH)
            def _():
                @pl.when(ch + PREF >= NBUF)
                def _():
                    pltpu.make_async_copy(
                        rows[k],
                        out_hbm.at[pl.ds(base + (ch + PREF - NBUF) * CHUNK, CHUNK)],
                        osems[k],
                    ).wait()
                pltpu.async_copy(y_hbm.at[idx_v.at[pl.ds((ch + PREF) * CHUNK, CHUNK)]], rows[k], gsems[k])

    for j in range(NBUF):
        ch = NCH - NBUF + j
        pltpu.make_async_copy(
            rows[j], out_hbm.at[pl.ds(base + ch * CHUNK, CHUNK)], osems[j]
        ).wait()


_gather = functools.partial(
    pl.kernel,
    out_type=jax.ShapeDtypeStruct((N_EDGES, D), jnp.float32),
    mesh=plsc.VectorSubcoreMesh(core_axis_name="c", subcore_axis_name="s"),
    scratch_types=[
        pltpu.VMEM((PER_W,), jnp.int32),
        [pltpu.VMEM((CHUNK, D), jnp.float32) for _ in range(NBUF)],
        [pltpu.SemaphoreType.DMA for _ in range(NBUF)],
        [pltpu.SemaphoreType.DMA for _ in range(NBUF)],
    ],
)(_gather_body)


@jax.jit
def kernel(x, edge_index, W, b):
    y = _transform(x, W, b)
    return _gather(y, edge_index[1].astype(jnp.int32))

# --- scband reference (transcript-rebuilt; emitter-appended) ---
"""Pipeline reference for scband-gcnlayer-22119081574525 (READ-ONLY COPY).

The authoritative reference and input builder live on the scoring server;
editing this copy changes nothing except your own understanding.
"""

import jax, jax.numpy as jnp
import numpy as np

N_NODES = 10000
N_EDGES = 320000
D_IN = 128
D_OUT = 128


def setup_inputs(seed: int = 0) -> dict:
    key = jax.random.key(seed)
    k_x, k_ei, k_w, k_b = jax.random.split(key, 4)
    x = jax.random.normal(k_x, (N_NODES, D_IN), dtype=jnp.float32)
    edge_index = jax.random.randint(k_ei, (2, N_EDGES), 0, N_NODES, dtype=jnp.int64)
    # nn.Linear params: weight [out, in], bias [out]
    bound = 1.0 / np.sqrt(D_IN)
    W = jax.random.uniform(k_w, (D_OUT, D_IN), minval=-bound, maxval=bound, dtype=jnp.float32)
    b = jax.random.uniform(k_b, (D_OUT,), minval=-bound, maxval=bound, dtype=jnp.float32)
    return {"x": x, "edge_index": edge_index, "W": W, "b": b}


def reference(x, edge_index, W, b):
    # row, col = edge_index
    col = edge_index[1]
    # gather neighbor features (SparseCore gather)
    neighbor_x = jnp.take(x, col, axis=0)  # [E, D_IN]
    # linear layer: y = x @ W^T + b
    aggr_x = neighbor_x @ W.T + b  # [E, D_OUT]
    return aggr_x


if False:  # reference __main__ guard neutralized (emitter)
    inp = setup_inputs()
    out = reference(**inp)
    print(out.shape, out.dtype)

if __name__ == "__main__":
    import jax
    _d = setup_inputs()
    print(jax.jit(kernel)(*tuple(_d.values())))

</pallas_src>

<mosaic_0001>
#map = affine_map<(d0, d1) -> (0, 0)>
#map1 = affine_map<(d0, d1) -> (0)>
module attributes {stable_mosaic.version = 14 : i64} {
  func.func @_gather_body(%arg0: i32, %arg1: i32, %arg2: memref<10000x128xf32, #tpu.memory_space<hbm>>, %arg3: memref<320000xi32, #tpu.memory_space<hbm>>, %arg4: memref<320000x128xf32, #tpu.memory_space<hbm>>, %arg5: memref<10000xi32, #tpu.memory_space<vmem>>, %arg6: memref<80x128xf32, #tpu.memory_space<vmem>>, %arg7: memref<80x128xf32, #tpu.memory_space<vmem>>, %arg8: memref<80x128xf32, #tpu.memory_space<vmem>>, %arg9: memref<80x128xf32, #tpu.memory_space<vmem>>, %arg10: memref<80x128xf32, #tpu.memory_space<vmem>>, %arg11: memref<!tpu.dma_semaphore, #tpu.memory_space<semaphore_mem>>, %arg12: memref<!tpu.dma_semaphore, #tpu.memory_space<semaphore_mem>>, %arg13: memref<!tpu.dma_semaphore, #tpu.memory_space<semaphore_mem>>, %arg14: memref<!tpu.dma_semaphore, #tpu.memory_space<semaphore_mem>>, %arg15: memref<!tpu.dma_semaphore, #tpu.memory_space<semaphore_mem>>, %arg16: memref<!tpu.dma_semaphore, #tpu.memory_space<semaphore_mem>>, %arg17: memref<!tpu.dma_semaphore, #tpu.memory_space<semaphore_mem>>, %arg18: memref<!tpu.dma_semaphore, #tpu.memory_space<semaphore_mem>>, %arg19: memref<!tpu.dma_semaphore, #tpu.memory_space<semaphore_mem>>, %arg20: memref<!tpu.dma_semaphore, #tpu.memory_space<semaphore_mem>>) attributes {dimension_semantics = [#tpu.dimension_semantics<core_parallel>, #tpu.dimension_semantics<subcore_parallel>], iteration_bounds = array<i64: 2, 16>, scalar_prefetch = 0 : i64, scratch_operands = 16 : i64, tpu.core_type = #tpu.core_type<sc_vector_subcore>, window_params = [{transform_indices = #map}, {transform_indices = #map1}, {transform_indices = #map}]} {
    %mul3A = arith.constant 2 : i32
    %mul3A_0 = arith.muli %arg1, %mul3A : i32
    %add3A = arith.addi %mul3A_0, %arg0 : i32
    %mul3A_1 = arith.constant 10000 : i32
    %mul3A_2 = arith.muli %add3A, %mul3A_1 : i32
    "tpu.region"() ({
      %run_scoped3A = tpu.sem_alloc : memref<!tpu.dma_semaphore, #tpu.memory_space<semaphore_mem>>
      %dma_start3A_55 = tpu.memref_slice %arg3[%mul3A_2] : memref<320000xi32, #tpu.memory_space<hbm>> -> memref<10000xi32, #tpu.memory_space<hbm>>
      %dma_start3A_56 = tpu.memref_slice %arg3[%mul3A_2] : memref<320000xi32, #tpu.memory_space<hbm>> -> memref<10000xi32, #tpu.memory_space<hbm>>
      tpu.enqueue_dma source(%dma_start3A_56 : memref<10000xi32, #tpu.memory_space<hbm>>) target(%arg5 : memref<10000xi32, #tpu.memory_space<vmem>>) target_semaphore(%run_scoped3A : memref<!tpu.dma_semaphore, #tpu.memory_space<semaphore_mem>>)
      %dma_wait3A_57 = tpu.memref_slice %arg3[%mul3A_2] : memref<320000xi32, #tpu.memory_space<hbm>> -> memref<10000xi32, #tpu.memory_space<hbm>>
      %dma_wait3A_58 = tpu.memref_slice %arg3[%mul3A_2] : memref<320000xi32, #tpu.memory_space<hbm>> -> memref<10000xi32, #tpu.memory_space<hbm>>
      tpu.wait_dma2 semaphore(%run_scoped3A : memref<!tpu.dma_semaphore, #tpu.memory_space<semaphore_mem>>) src(%dma_wait3A_58 : memref<10000xi32, #tpu.memory_space<hbm>>) dst(%arg5 : memref<10000xi32, #tpu.memory_space<vmem>>)
      tpu.yield
    }) : () -> ()
    %dma_start3A = arith.constant 0 : i32
    %dma_start3A_3 = tpu.memref_slice %arg5[%dma_start3A] : memref<10000xi32, #tpu.memory_space<vmem>> -> memref<80xi32, #tpu.memory_space<vmem>>
    %dma_start3A_4 = arith.constant 0 : i32
    %dma_start3A_5 = arith.constant 0 : i32
    %dma_start3A_6 = tpu.memref_slice %arg2[%dma_start3A_4, %dma_start3A_5] : memref<10000x128xf32, #tpu.memory_space<hbm>> -> memref<10000x128xf32, #tpu.memory_space<hbm>>
    tpu.enqueue_indirect_dma source(%dma_start3A_6 : memref<10000x128xf32, #tpu.memory_space<hbm>>) target(%arg6 : memref<80x128xf32, #tpu.memory_space<vmem>>) offsets(%dma_start3A_3 : memref<80xi32, #tpu.memory_space<vmem>>) semaphore(%arg11 : memref<!tpu.dma_semaphore, #tpu.memory_space<semaphore_mem>>)
    %dma_start3A_7 = arith.constant 80 : i32
    %dma_start3A_8 = tpu.memref_slice %arg5[%dma_start3A_7] : memref<10000xi32, #tpu.memory_space<vmem>> -> memref<80xi32, #tpu.memory_space<vmem>>
    %dma_start3A_9 = arith.constant 0 : i32
    %dma_start3A_10 = arith.constant 0 : i32
    %dma_start3A_11 = tpu.memref_slice %arg2[%dma_start3A_9, %dma_start3A_10] : memref<10000x128xf32, #tpu.memory_space<hbm>> -> memref<10000x128xf32, #tpu.memory_space<hbm>>
    tpu.enqueue_indirect_dma source(%dma_start3A_11 : memref<10000x128xf32, #tpu.memory_space<hbm>>) target(%arg7 : memref<80x128xf32, #tpu.memory_space<vmem>>) offsets(%dma_start3A_8 : memref<80xi32, #tpu.memory_space<vmem>>) semaphore(%arg12 : memref<!tpu.dma_semaphore, #tpu.memory_space<semaphore_mem>>)
    %dma_start3A_12 = arith.constant 160 : i32
    %dma_start3A_13 = tpu.memref_slice %arg5[%dma_start3A_12] : memref<10000xi32, #tpu.memory_space<vmem>> -> memref<80xi32, #tpu.memory_space<vmem>>
    %dma_start3A_14 = arith.constant 0 : i32
    %dma_start3A_15 = arith.constant 0 : i32
    %dma_start3A_16 = tpu.memref_slice %arg2[%dma_start3A_14, %dma_start3A_15] : memref<10000x128xf32, #tpu.memory_space<hbm>> -> memref<10000x128xf32, #tpu.memory_space<hbm>>
    tpu.enqueue_indirect_dma source(%dma_start3A_16 : memref<10000x128xf32, #tpu.memory_space<hbm>>) target(%arg8 : memref<80x128xf32, #tpu.memory_space<vmem>>) offsets(%dma_start3A_13 : memref<80xi32, #tpu.memory_space<vmem>>) semaphore(%arg13 : memref<!tpu.dma_semaphore, #tpu.memory_space<semaphore_mem>>)
    %dma_start3A_17 = arith.constant 240 : i32
    %dma_start3A_18 = tpu.memref_slice %arg5[%dma_start3A_17] : memref<10000xi32, #tpu.memory_space<vmem>> -> memref<80xi32, #tpu.memory_space<vmem>>
    %dma_start3A_19 = arith.constant 0 : i32
    %dma_start3A_20 = arith.constant 0 : i32
    %dma_start3A_21 = tpu.memref_slice %arg2[%dma_start3A_19, %dma_start3A_20] : memref<10000x128xf32, #tpu.memory_space<hbm>> -> memref<10000x128xf32, #tpu.memory_space<hbm>>
    tpu.enqueue_indirect_dma source(%dma_start3A_21 : memref<10000x128xf32, #tpu.memory_space<hbm>>) target(%arg9 : memref<80x128xf32, #tpu.memory_space<vmem>>) offsets(%dma_start3A_18 : memref<80xi32, #tpu.memory_space<vmem>>) semaphore(%arg14 : memref<!tpu.dma_semaphore, #tpu.memory_space<semaphore_mem>>)
    %scan3A = arith.constant 0 : i32
    %scan3A_22 = arith.constant 25 : i32
    %scan3A_23 = arith.addi %scan3A, %scan3A_22 : i32
    %scan3A_24 = arith.constant 1 : i32
    scf.for %scan3A_55 = %scan3A to %scan3A_23 step %scan3A_24  : i32 {
      %mul3A_56 = arith.constant 5 : i32
      %mul3A_57 = arith.muli %scan3A_55, %mul3A_56 : i32
      %add3A_58 = arith.constant 0 : i32
      %add3A_59 = arith.addi %add3A_58, %mul3A_57 : i32
      %add3A_60 = arith.constant 0 : i32
      %add3A_61 = arith.addi %add3A_59, %add3A_60 : i32
      %mul3A_62 = arith.constant 80 : i32
      %mul3A_63 = arith.muli %add3A_61, %mul3A_62 : i32
      %dma_wait3A_64 = tpu.memref_slice %arg5[%mul3A_63] : memref<10000xi32, #tpu.memory_space<vmem>> -> memref<80xi32, #tpu.memory_space<vmem>>
      %dma_wait3A_65 = arith.constant 0 : i32
      %dma_wait3A_66 = arith.constant 0 : i32
      %dma_wait3A_67 = tpu.memref_slice %arg2[%dma_wait3A_65, %dma_wait3A_66] : memref<10000x128xf32, #tpu.memory_space<hbm>> -> memref<10000x128xf32, #tpu.memory_space<hbm>>
      tpu.wait_indirect_dma semaphore(%arg11 : memref<!tpu.dma_semaphore, #tpu.memory_space<semaphore_mem>>) src(%dma_wait3A_67 : memref<10000x128xf32, #tpu.memory_space<hbm>>) dst(%arg6 : memref<80x128xf32, #tpu.memory_space<vmem>>)
      %mul3A_68 = arith.constant 80 : i32
      %mul3A_69 = arith.muli %add3A_61, %mul3A_68 : i32
      %add3A_70 = arith.addi %mul3A_2, %mul3A_69 : i32
      %dma_start3A_71 = arith.constant 0 : i32
      %dma_start3A_72 = tpu.memref_slice %arg4[%add3A_70, %dma_start3A_71] : memref<320000x128xf32, #tpu.memory_space<hbm>> -> memref<80x128xf32, #tpu.memory_space<hbm>>
      %dma_start3A_73 = arith.constant 0 : i32
      %dma_start3A_74 = tpu.memref_slice %arg4[%add3A_70, %dma_start3A_73] : memref<320000x128xf32, #tpu.memory_space<hbm>> -> memref<80x128xf32, #tpu.memory_space<hbm>>
      tpu.enqueue_dma source(%arg6 : memref<80x128xf32, #tpu.memory_space<vmem>>) target(%dma_start3A_74 : memref<80x128xf32, #tpu.memory_space<hbm>>) target_semaphore(%arg16 : memref<!tpu.dma_semaphore, #tpu.memory_space<semaphore_mem>>)
      %add3A_75 = arith.constant 4 : i32
      %add3A_76 = arith.addi %add3A_61, %add3A_75 : i32
      %lt3A = arith.constant 125 : i32
      %lt3A_77 = arith.cmpi slt, %add3A_76, %lt3A : i32
      %convert_element_type3A = arith.extui %lt3A_77 : i1 to i32
      %cond3A = arith.constant 0 : i32
      %cond3A_78 = arith.cmpi ne, %convert_element_type3A, %cond3A : i32
      scf.if %cond3A_78 {
        %add3A_167 = arith.constant 4 : i32
        %add3A_168 = arith.addi %add3A_61, %add3A_167 : i32
        %ge3A = arith.constant 5 : i32
        %ge3A_169 = arith.cmpi sge, %add3A_168, %ge3A : i32
        %convert_element_type3A_170 = arith.extui %ge3A_169 : i1 to i32
        %cond3A_171 = arith.constant 0 : i32
        %cond3A_172 = arith.cmpi ne, %convert_element_type3A_170, %cond3A_171 : i32
        scf.if %cond3A_172 {
          %add3A_181 = arith.constant 4 : i32
          %add3A_182 = arith.addi %add3A_61, %add3A_181 : i32
          %sub3A = arith.constant 5 : i32
          %sub3A_183 = arith.subi %add3A_182, %sub3A : i32
          %mul3A_184 = arith.constant 80 : i32
          %mul3A_185 = arith.muli %sub3A_183, %mul3A_184 : i32
          %add3A_186 = arith.addi %mul3A_2, %mul3A_185 : i32
          %dma_wait3A_187 = arith.constant 0 : i32
          %dma_wait3A_188 = tpu.memref_slice %arg4[%add3A_186, %dma_wait3A_187] : memref<320000x128xf32, #tpu.memory_space<hbm>> -> memref<80x128xf32, #tpu.memory_space<hbm>>
          %dma_wait3A_189 = arith.constant 0 : i32
          %dma_wait3A_190 = tpu.memref_slice %arg4[%add3A_186, %dma_wait3A_189] : memref<320000x128xf32, #tpu.memory_space<hbm>> -> memref<80x128xf32, #tpu.memory_space<hbm>>
          tpu.wait_dma2 semaphore(%arg20 : memref<!tpu.dma_semaphore, #tpu.memory_space<semaphore_mem>>) src(%arg10 : memref<80x128xf32, #tpu.memory_space<vmem>>) dst(%dma_wait3A_190 : memref<80x128xf32, #tpu.memory_space<hbm>>)
        } else {
        }
        %add3A_173 = arith.constant 4 : i32
        %add3A_174 = arith.addi %add3A_61, %add3A_173 : i32
        %mul3A_175 = arith.constant 80 : i32
        %mul3A_176 = arith.muli %add3A_174, %mul3A_175 : i32
        %dma_start3A_177 = tpu.memref_slice %arg5[%mul3A_176] : memref<10000xi32, #tpu.memory_space<vmem>> -> memref<80xi32, #tpu.memory_space<vmem>>
        %dma_start3A_178 = arith.constant 0 : i32
        %dma_start3A_179 = arith.constant 0 : i32
        %dma_start3A_180 = tpu.memref_slice %arg2[%dma_start3A_178, %dma_start3A_179] : memref<10000x128xf32, #tpu.memory_space<hbm>> -> memref<10000x128xf32, #tpu.memory_space<hbm>>
        tpu.enqueue_indirect_dma source(%dma_start3A_180 : memref<10000x128xf32, #tpu.memory_space<hbm>>) target(%arg10 : memref<80x128xf32, #tpu.memory_space<vmem>>) offsets(%dma_start3A_177 : memref<80xi32, #tpu.memory_space<vmem>>) semaphore(%arg15 : memref<!tpu.dma_semaphore, #tpu.memory_space<semaphore_mem>>)
      } else {
      }
      %add3A_79 = arith.constant 1 : i32
      %add3A_80 = arith.addi %add3A_59, %add3A_79 : i32
      %mul3A_81 = arith.constant 80 : i32
      %mul3A_82 = arith.muli %add3A_80, %mul3A_81 : i32
      %dma_wait3A_83 = tpu.memref_slice %arg5[%mul3A_82] : memref<10000xi32, #tpu.memory_space<vmem>> -> memref<80xi32, #tpu.memory_space<vmem>>
      %dma_wait3A_84 = arith.constant 0 : i32
      %dma_wait3A_85 = arith.constant 0 : i32
      %dma_wait3A_86 = tpu.memref_slice %arg2[%dma_wait3A_84, %dma_wait3A_85] : memref<10000x128xf32, #tpu.memory_space<hbm>> -> memref<10000x128xf32, #tpu.memory_space<hbm>>
      tpu.wait_indirect_dma semaphore(%arg12 : memref<!tpu.dma_semaphore, #tpu.memory_space<semaphore_mem>>) src(%dma_wait3A_86 : memref<10000x128xf32, #tpu.memory_space<hbm>>) dst(%arg7 : memref<80x128xf32, #tpu.memory_space<vmem>>)
      %mul3A_87 = arith.constant 80 : i32
      %mul3A_88 = arith.muli %add3A_80, %mul3A_87 : i32
      %add3A_89 = arith.addi %mul3A_2, %mul3A_88 : i32
      %dma_start3A_90 = arith.constant 0 : i32
      %dma_start3A_91 = tpu.memref_slice %arg4[%add3A_89, %dma_start3A_90] : memref<320000x128xf32, #tpu.memory_space<hbm>> -> memref<80x128xf32, #tpu.memory_space<hbm>>
      %dma_start3A_92 = arith.constant 0 : i32
      %dma_start3A_93 = tpu.memref_slice %arg4[%add3A_89, %dma_start3A_92] : memref<320000x128xf32, #tpu.memory_space<hbm>> -> memref<80x128xf32, #tpu.memory_space<hbm>>
      tpu.enqueue_dma source(%arg7 : memref<80x128xf32, #tpu.memory_space<vmem>>) target(%dma_start3A_93 : memref<80x128xf32, #tpu.memory_space<hbm>>) target_semaphore(%arg17 : memref<!tpu.dma_semaphore, #tpu.memory_space<semaphore_mem>>)
      %add3A_94 = arith.constant 4 : i32
      %add3A_95 = arith.addi %add3A_80, %add3A_94 : i32
      %lt3A_96 = arith.constant 125 : i32
      %lt3A_97 = arith.cmpi slt, %add3A_95, %lt3A_96 : i32
      %convert_element_type3A_98 = arith.extui %lt3A_97 : i1 to i32
      %cond3A_99 = arith.constant 0 : i32
      %cond3A_100 = arith.cmpi ne, %convert_element_type3A_98, %cond3A_99 : i32
      scf.if %cond3A_100 {
        %add3A_167 = arith.constant 4 : i32
        %add3A_168 = arith.addi %add3A_80, %add3A_167 : i32
        %ge3A = arith.constant 5 : i32
        %ge3A_169 = arith.cmpi sge, %add3A_168, %ge3A : i32
        %convert_element_type3A_170 = arith.extui %ge3A_169 : i1 to i32
        %cond3A_171 = arith.constant 0 : i32
        %cond3A_172 = arith.cmpi ne, %convert_element_type3A_170, %cond3A_171 : i32
        scf.if %cond3A_172 {
          %add3A_181 = arith.constant 4 : i32
          %add3A_182 = arith.addi %add3A_80, %add3A_181 : i32
          %sub3A = arith.constant 5 : i32
          %sub3A_183 = arith.subi %add3A_182, %sub3A : i32
          %mul3A_184 = arith.constant 80 : i32
          %mul3A_185 = arith.muli %sub3A_183, %mul3A_184 : i32
          %add3A_186 = arith.addi %mul3A_2, %mul3A_185 : i32
          %dma_wait3A_187 = arith.constant 0 : i32
          %dma_wait3A_188 = tpu.memref_slice %arg4[%add3A_186, %dma_wait3A_187] : memref<320000x128xf32, #tpu.memory_space<hbm>> -> memref<80x128xf32, #tpu.memory_space<hbm>>
          %dma_wait3A_189 = arith.constant 0 : i32
          %dma_wait3A_190 = tpu.memref_slice %arg4[%add3A_186, %dma_wait3A_189] : memref<320000x128xf32, #tpu.memory_space<hbm>> -> memref<80x128xf32, #tpu.memory_space<hbm>>
          tpu.wait_dma2 semaphore(%arg16 : memref<!tpu.dma_semaphore, #tpu.memory_space<semaphore_mem>>) src(%arg6 : memref<80x128xf32, #tpu.memory_space<vmem>>) dst(%dma_wait3A_190 : memref<80x128xf32, #tpu.memory_space<hbm>>)
        } else {
        }
        %add3A_173 = arith.constant 4 : i32
        %add3A_174 = arith.addi %add3A_80, %add3A_173 : i32
        %mul3A_175 = arith.constant 80 : i32
        %mul3A_176 = arith.muli %add3A_174, %mul3A_175 : i32
        %dma_start3A_177 = tpu.memref_slice %arg5[%mul3A_176] : memref<10000xi32, #tpu.memory_space<vmem>> -> memref<80xi32, #tpu.memory_space<vmem>>
        %dma_start3A_178 = arith.constant 0 : i32
        %dma_start3A_179 = arith.constant 0 : i32
        %dma_start3A_180 = tpu.memref_slice %arg2[%dma_start3A_178, %dma_start3A_179] : memref<10000x128xf32, #tpu.memory_space<hbm>> -> memref<10000x128xf32, #tpu.memory_space<hbm>>
        tpu.enqueue_indirect_dma source(%dma_start3A_180 : memref<10000x128xf32, #tpu.memory_space<hbm>>) target(%arg6 : memref<80x128xf32, #tpu.memory_space<vmem>>) offsets(%dma_start3A_177 : memref<80xi32, #tpu.memory_space<vmem>>) semaphore(%arg11 : memref<!tpu.dma_semaphore, #tpu.memory_space<semaphore_mem>>)
      } else {
      }
      %add3A_101 = arith.constant 2 : i32
      %add3A_102 = arith.addi %add3A_59, %add3A_101 : i32
      %mul3A_103 = arith.constant 80 : i32
      %mul3A_104 = arith.muli %add3A_102, %mul3A_103 : i32
      %dma_wait3A_105 = tpu.memref_slice %arg5[%mul3A_104] : memref<10000xi32, #tpu.memory_space<vmem>> -> memref<80xi32, #tpu.memory_space<vmem>>
      %dma_wait3A_106 = arith.constant 0 : i32
      %dma_wait3A_107 = arith.constant 0 : i32
      %dma_wait3A_108 = tpu.memref_slice %arg2[%dma_wait3A_106, %dma_wait3A_107] : memref<10000x128xf32, #tpu.memory_space<hbm>> -> memref<10000x128xf32, #tpu.memory_space<hbm>>
      tpu.wait_indirect_dma semaphore(%arg13 : memref<!tpu.dma_semaphore, #tpu.memory_space<semaphore_mem>>) src(%dma_wait3A_108 : memref<10000x128xf32, #tpu.memory_space<hbm>>) dst(%arg8 : memref<80x128xf32, #tpu.memory_space<vmem>>)
      %mul3A_109 = arith.constant 80 : i32
      %mul3A_110 = arith.muli %add3A_102, %mul3A_109 : i32
      %add3A_111 = arith.addi %mul3A_2, %mul3A_110 : i32
      %dma_start3A_112 = arith.constant 0 : i32
      %dma_start3A_113 = tpu.memref_slice %arg4[%add3A_111, %dma_start3A_112] : memref<320000x128xf32, #tpu.memory_space<hbm>> -> memref<80x128xf32, #tpu.memory_space<hbm>>
      %dma_start3A_114 = arith.constant 0 : i32
      %dma_start3A_115 = tpu.memref_slice %arg4[%add3A_111, %dma_start3A_114] : memref<320000x128xf32, #tpu.memory_space<hbm>> -> memref<80x128xf32, #tpu.memory_space<hbm>>
      tpu.enqueue_dma source(%arg8 : memref<80x128xf32, #tpu.memory_space<vmem>>) target(%dma_start3A_115 : memref<80x128xf32, #tpu.memory_space<hbm>>) target_semaphore(%arg18 : memref<!tpu.dma_semaphore, #tpu.memory_space<semaphore_mem>>)
      %add3A_116 = arith.constant 4 : i32
      %add3A_117 = arith.addi %add3A_102, %add3A_116 : i32
      %lt3A_118 = arith.constant 125 : i32
      %lt3A_119 = arith.cmpi slt, %add3A_117, %lt3A_118 : i32
      %convert_element_type3A_120 = arith.extui %lt3A_119 : i1 to i32
      %cond3A_121 = arith.constant 0 : i32
      %cond3A_122 = arith.cmpi ne, %convert_element_type3A_120, %cond3A_121 : i32
      scf.if %cond3A_122 {
        %add3A_167 = arith.constant 4 : i32
        %add3A_168 = arith.addi %add3A_102, %add3A_167 : i32
        %ge3A = arith.constant 5 : i32
        %ge3A_169 = arith.cmpi sge, %add3A_168, %ge3A : i32
        %convert_element_type3A_170 = arith.extui %ge3A_169 : i1 to i32
        %cond3A_171 = arith.constant 0 : i32
        %cond3A_172 = arith.cmpi ne, %convert_element_type3A_170, %cond3A_171 : i32
        scf.if %cond3A_172 {
          %add3A_181 = arith.constant 4 : i32
          %add3A_182 = arith.addi %add3A_102, %add3A_181 : i32
          %sub3A = arith.constant 5 : i32
          %sub3A_183 = arith.subi %add3A_182, %sub3A : i32
          %mul3A_184 = arith.constant 80 : i32
          %mul3A_185 = arith.muli %sub3A_183, %mul3A_184 : i32
          %add3A_186 = arith.addi %mul3A_2, %mul3A_185 : i32
          %dma_wait3A_187 = arith.constant 0 : i32
          %dma_wait3A_188 = tpu.memref_slice %arg4[%add3A_186, %dma_wait3A_187] : memref<320000x128xf32, #tpu.memory_space<hbm>> -> memref<80x128xf32, #tpu.memory_space<hbm>>
          %dma_wait3A_189 = arith.constant 0 : i32
          %dma_wait3A_190 = tpu.memref_slice %arg4[%add3A_186, %dma_wait3A_189] : memref<320000x128xf32, #tpu.memory_space<hbm>> -> memref<80x128xf32, #tpu.memory_space<hbm>>
          tpu.wait_dma2 semaphore(%arg17 : memref<!tpu.dma_semaphore, #tpu.memory_space<semaphore_mem>>) src(%arg7 : memref<80x128xf32, #tpu.memory_space<vmem>>) dst(%dma_wait3A_190 : memref<80x128xf32, #tpu.memory_space<hbm>>)
        } else {
        }
        %add3A_173 = arith.constant 4 : i32
        %add3A_174 = arith.addi %add3A_102, %add3A_173 : i32
        %mul3A_175 = arith.constant 80 : i32
        %mul3A_176 = arith.muli %add3A_174, %mul3A_175 : i32
        %dma_start3A_177 = tpu.memref_slice %arg5[%mul3A_176] : memref<10000xi32, #tpu.memory_space<vmem>> -> memref<80xi32, #tpu.memory_space<vmem>>
        %dma_start3A_178 = arith.constant 0 : i32
        %dma_start3A_179 = arith.constant 0 : i32
        %dma_start3A_180 = tpu.memref_slice %arg2[%dma_start3A_178, %dma_start3A_179] : memref<10000x128xf32, #tpu.memory_space<hbm>> -> memref<10000x128xf32, #tpu.memory_space<hbm>>
        tpu.enqueue_indirect_dma source(%dma_start3A_180 : memref<10000x128xf32, #tpu.memory_space<hbm>>) target(%arg7 : memref<80x128xf32, #tpu.memory_space<vmem>>) offsets(%dma_start3A_177 : memref<80xi32, #tpu.memory_space<vmem>>) semaphore(%arg12 : memref<!tpu.dma_semaphore, #tpu.memory_space<semaphore_mem>>)
      } else {
      }
      %add3A_123 = arith.constant 3 : i32
      %add3A_124 = arith.addi %add3A_59, %add3A_123 : i32
      %mul3A_125 = arith.constant 80 : i32
      %mul3A_126 = arith.muli %add3A_124, %mul3A_125 : i32
      %dma_wait3A_127 = tpu.memref_slice %arg5[%mul3A_126] : memref<10000xi32, #tpu.memory_space<vmem>> -> memref<80xi32, #tpu.memory_space<vmem>>
      %dma_wait3A_128 = arith.constant 0 : i32
      %dma_wait3A_129 = arith.constant 0 : i32
      %dma_wait3A_130 = tpu.memref_slice %arg2[%dma_wait3A_128, %dma_wait3A_129] : memref<10000x128xf32, #tpu.memory_space<hbm>> -> memref<10000x128xf32, #tpu.memory_space<hbm>>
      tpu.wait_indirect_dma semaphore(%arg14 : memref<!tpu.dma_semaphore, #tpu.memory_space<semaphore_mem>>) src(%dma_wait3A_130 : memref<10000x128xf32, #tpu.memory_space<hbm>>) dst(%arg9 : memref<80x128xf32, #tpu.memory_space<vmem>>)
      %mul3A_131 = arith.constant 80 : i32
      %mul3A_132 = arith.muli %add3A_124, %mul3A_131 : i32
      %add3A_133 = arith.addi %mul3A_2, %mul3A_132 : i32
      %dma_start3A_134 = arith.constant 0 : i32
      %dma_start3A_135 = tpu.memref_slice %arg4[%add3A_133, %dma_start3A_134] : memref<320000x128xf32, #tpu.memory_space<hbm>> -> memref<80x128xf32, #tpu.memory_space<hbm>>
      %dma_start3A_136 = arith.constant 0 : i32
      %dma_start3A_137 = tpu.memref_slice %arg4[%add3A_133, %dma_start3A_136] : memref<320000x128xf32, #tpu.memory_space<hbm>> -> memref<80x128xf32, #tpu.memory_space<hbm>>
      tpu.enqueue_dma source(%arg9 : memref<80x128xf32, #tpu.memory_space<vmem>>) target(%dma_start3A_137 : memref<80x128xf32, #tpu.memory_space<hbm>>) target_semaphore(%arg19 : memref<!tpu.dma_semaphore, #tpu.memory_space<semaphore_mem>>)
      %add3A_138 = arith.constant 4 : i32
      %add3A_139 = arith.addi %add3A_124, %add3A_138 : i32
      %lt3A_140 = arith.constant 125 : i32
      %lt3A_141 = arith.cmpi slt, %add3A_139, %lt3A_140 : i32
      %convert_element_type3A_142 = arith.extui %lt3A_141 : i1 to i32
      %cond3A_143 = arith.constant 0 : i32
      %cond3A_144 = arith.cmpi ne, %convert_element_type3A_142, %cond3A_143 : i32
      scf.if %cond3A_144 {
        %add3A_167 = arith.constant 4 : i32
        %add3A_168 = arith.addi %add3A_124, %add3A_167 : i32
        %ge3A = arith.constant 5 : i32
        %ge3A_169 = arith.cmpi sge, %add3A_168, %ge3A : i32
        %convert_element_type3A_170 = arith.extui %ge3A_169 : i1 to i32
        %cond3A_171 = arith.constant 0 : i32
        %cond3A_172 = arith.cmpi ne, %convert_element_type3A_170, %cond3A_171 : i32
        scf.if %cond3A_172 {
          %add3A_181 = arith.constant 4 : i32
          %add3A_182 = arith.addi %add3A_124, %add3A_181 : i32
          %sub3A = arith.constant 5 : i32
          %sub3A_183 = arith.subi %add3A_182, %sub3A : i32
          %mul3A_184 = arith.constant 80 : i32
          %mul3A_185 = arith.muli %sub3A_183, %mul3A_184 : i32
          %add3A_186 = arith.addi %mul3A_2, %mul3A_185 : i32
          %dma_wait3A_187 = arith.constant 0 : i32
          %dma_wait3A_188 = tpu.memref_slice %arg4[%add3A_186, %dma_wait3A_187] : memref<320000x128xf32, #tpu.memory_space<hbm>> -> memref<80x128xf32, #tpu.memory_space<hbm>>
          %dma_wait3A_189 = arith.constant 0 : i32
          %dma_wait3A_190 = tpu.memref_slice %arg4[%add3A_186, %dma_wait3A_189] : memref<320000x128xf32, #tpu.memory_space<hbm>> -> memref<80x128xf32, #tpu.memory_space<hbm>>
          tpu.wait_dma2 semaphore(%arg18 : memref<!tpu.dma_semaphore, #tpu.memory_space<semaphore_mem>>) src(%arg8 : memref<80x128xf32, #tpu.memory_space<vmem>>) dst(%dma_wait3A_190 : memref<80x128xf32, #tpu.memory_space<hbm>>)
        } else {
        }
        %add3A_173 = arith.constant 4 : i32
        %add3A_174 = arith.addi %add3A_124, %add3A_173 : i32
        %mul3A_175 = arith.constant 80 : i32
        %mul3A_176 = arith.muli %add3A_174, %mul3A_175 : i32
        %dma_start3A_177 = tpu.memref_slice %arg5[%mul3A_176] : memref<10000xi32, #tpu.memory_space<vmem>> -> memref<80xi32, #tpu.memory_space<vmem>>
        %dma_start3A_178 = arith.constant 0 : i32
        %dma_start3A_179 = arith.constant 0 : i32
        %dma_start3A_180 = tpu.memref_slice %arg2[%dma_start3A_178, %dma_start3A_179] : memref<10000x128xf32, #tpu.memory_space<hbm>> -> memref<10000x128xf32, #tpu.memory_space<hbm>>
        tpu.enqueue_indirect_dma source(%dma_start3A_180 : memref<10000x128xf32, #tpu.memory_space<hbm>>) target(%arg8 : memref<80x128xf32, #tpu.memory_space<vmem>>) offsets(%dma_start3A_177 : memref<80xi32, #tpu.memory_space<vmem>>) semaphore(%arg13 : memref<!tpu.dma_semaphore, #tpu.memory_space<semaphore_mem>>)
      } else {
      }
      %add3A_145 = arith.constant 4 : i32
      %add3A_146 = arith.addi %add3A_59, %add3A_145 : i32
      %mul3A_147 = arith.constant 80 : i32
      %mul3A_148 = arith.muli %add3A_146, %mul3A_147 : i32
      %dma_wait3A_149 = tpu.memref_slice %arg5[%mul3A_148] : memref<10000xi32, #tpu.memory_space<vmem>> -> memref<80xi32, #tpu.memory_space<vmem>>
      %dma_wait3A_150 = arith.constant 0 : i32
      %dma_wait3A_151 = arith.constant 0 : i32
      %dma_wait3A_152 = tpu.memref_slice %arg2[%dma_wait3A_150, %dma_wait3A_151] : memref<10000x128xf32, #tpu.memory_space<hbm>> -> memref<10000x128xf32, #tpu.memory_space<hbm>>
      tpu.wait_indirect_dma semaphore(%arg15 : memref<!tpu.dma_semaphore, #tpu.memory_space<semaphore_mem>>) src(%dma_wait3A_152 : memref<10000x128xf32, #tpu.memory_space<hbm>>) dst(%arg10 : memref<80x128xf32, #tpu.memory_space<vmem>>)
      %mul3A_153 = arith.constant 80 : i32
      %mul3A_154 = arith.muli %add3A_146, %mul3A_153 : i32
      %add3A_155 = arith.addi %mul3A_2, %mul3A_154 : i32
      %dma_start3A_156 = arith.constant 0 : i32
      %dma_start3A_157 = tpu.memref_slice %arg4[%add3A_155, %dma_start3A_156] : memref<320000x128xf32, #tpu.memory_space<hbm>> -> memref<80x128xf32, #tpu.memory_space<hbm>>
      %dma_start3A_158 = arith.constant 0 : i32
      %dma_start3A_159 = tpu.memref_slice %arg4[%add3A_155, %dma_start3A_158] : memref<320000x128xf32, #tpu.memory_space<hbm>> -> memref<80x128xf32, #tpu.memory_space<hbm>>
      tpu.enqueue_dma source(%arg10 : memref<80x128xf32, #tpu.memory_space<vmem>>) target(%dma_start3A_159 : memref<80x128xf32, #tpu.memory_space<hbm>>) target_semaphore(%arg20 : memref<!tpu.dma_semaphore, #tpu.memory_space<semaphore_mem>>)
      %add3A_160 = arith.constant 4 : i32
      %add3A_161 = arith.addi %add3A_146, %add3A_160 : i32
      %lt3A_162 = arith.constant 125 : i32
      %lt3A_163 = arith.cmpi slt, %add3A_161, %lt3A_162 : i32
      %convert_element_type3A_164 = arith.extui %lt3A_163 : i1 to i32
      %cond3A_165 = arith.constant 0 : i32
      %cond3A_166 = arith.cmpi ne, %convert_element_type3A_164, %cond3A_165 : i32
      scf.if %cond3A_166 {
        %add3A_167 = arith.constant 4 : i32
        %add3A_168 = arith.addi %add3A_146, %add3A_167 : i32
        %ge3A = arith.constant 5 : i32
        %ge3A_169 = arith.cmpi sge, %add3A_168, %ge3A : i32
        %convert_element_type3A_170 = arith.extui %ge3A_169 : i1 to i32
        %cond3A_171 = arith.constant 0 : i32
        %cond3A_172 = arith.cmpi ne, %convert_element_type3A_170, %cond3A_171 : i32
        scf.if %cond3A_172 {
          %add3A_181 = arith.constant 4 : i32
          %add3A_182 = arith.addi %add3A_146, %add3A_181 : i32
          %sub3A = arith.constant 5 : i32
          %sub3A_183 = arith.subi %add3A_182, %sub3A : i32
          %mul3A_184 = arith.constant 80 : i32
          %mul3A_185 = arith.muli %sub3A_183, %mul3A_184 : i32
          %add3A_186 = arith.addi %mul3A_2, %mul3A_185 : i32
          %dma_wait3A_187 = arith.constant 0 : i32
          %dma_wait3A_188 = tpu.memref_slice %arg4[%add3A_186, %dma_wait3A_187] : memref<320000x128xf32, #tpu.memory_space<hbm>> -> memref<80x128xf32, #tpu.memory_space<hbm>>
          %dma_wait3A_189 = arith.constant 0 : i32
          %dma_wait3A_190 = tpu.memref_slice %arg4[%add3A_186, %dma_wait3A_189] : memref<320000x128xf32, #tpu.memory_space<hbm>> -> memref<80x128xf32, #tpu.memory_space<hbm>>
          tpu.wait_dma2 semaphore(%arg19 : memref<!tpu.dma_semaphore, #tpu.memory_space<semaphore_mem>>) src(%arg9 : memref<80x128xf32, #tpu.memory_space<vmem>>) dst(%dma_wait3A_190 : memref<80x128xf32, #tpu.memory_space<hbm>>)
        } else {
        }
        %add3A_173 = arith.constant 4 : i32
        %add3A_174 = arith.addi %add3A_146, %add3A_173 : i32
        %mul3A_175 = arith.constant 80 : i32
        %mul3A_176 = arith.muli %add3A_174, %mul3A_175 : i32
        %dma_start3A_177 = tpu.memref_slice %arg5[%mul3A_176] : memref<10000xi32, #tpu.memory_space<vmem>> -> memref<80xi32, #tpu.memory_space<vmem>>
        %dma_start3A_178 = arith.constant 0 : i32
        %dma_start3A_179 = arith.constant 0 : i32
        %dma_start3A_180 = tpu.memref_slice %arg2[%dma_start3A_178, %dma_start3A_179] : memref<10000x128xf32, #tpu.memory_space<hbm>> -> memref<10000x128xf32, #tpu.memory_space<hbm>>
        tpu.enqueue_indirect_dma source(%dma_start3A_180 : memref<10000x128xf32, #tpu.memory_space<hbm>>) target(%arg9 : memref<80x128xf32, #tpu.memory_space<vmem>>) offsets(%dma_start3A_177 : memref<80xi32, #tpu.memory_space<vmem>>) semaphore(%arg14 : memref<!tpu.dma_semaphore, #tpu.memory_space<semaphore_mem>>)
      } else {
      }
    }
    %scan3A_25 = arith.constant 25 : i32
    %add3A_26 = arith.constant 9600 : i32
    %add3A_27 = arith.addi %mul3A_2, %add3A_26 : i32
    %dma_wait3A = arith.constant 0 : i32
    %dma_wait3A_28 = tpu.memref_slice %arg4[%add3A_27, %dma_wait3A] : memref<320000x128xf32, #tpu.memory_space<hbm>> -> memref<80x128xf32, #tpu.memory_space<hbm>>
    %dma_wait3A_29 = arith.constant 0 : i32
    %dma_wait3A_30 = tpu.memref_slice %arg4[%add3A_27, %dma_wait3A_29] : memref<320000x128xf32, #tpu.memory_space<hbm>> -> memref<80x128xf32, #tpu.memory_space<hbm>>
    tpu.wait_dma2 semaphore(%arg16 : memref<!tpu.dma_semaphore, #tpu.memory_space<semaphore_mem>>) src(%arg6 : memref<80x128xf32, #tpu.memory_space<vmem>>) dst(%dma_wait3A_30 : memref<80x128xf32, #tpu.memory_space<hbm>>)
    %add3A_31 = arith.constant 9680 : i32
    %add3A_32 = arith.addi %mul3A_2, %add3A_31 : i32
    %dma_wait3A_33 = arith.constant 0 : i32
    %dma_wait3A_34 = tpu.memref_slice %arg4[%add3A_32, %dma_wait3A_33] : memref<320000x128xf32, #tpu.memory_space<hbm>> -> memref<80x128xf32, #tpu.memory_space<hbm>>
    %dma_wait3A_35 = arith.constant 0 : i32
    %dma_wait3A_36 = tpu.memref_slice %arg4[%add3A_32, %dma_wait3A_35] : memref<320000x128xf32, #tpu.memory_space<hbm>> -> memref<80x128xf32, #tpu.memory_space<hbm>>
    tpu.wait_dma2 semaphore(%arg17 : memref<!tpu.dma_semaphore, #tpu.memory_space<semaphore_mem>>) src(%arg7 : memref<80x128xf32, #tpu.memory_space<vmem>>) dst(%dma_wait3A_36 : memref<80x128xf32, #tpu.memory_space<hbm>>)
    %add3A_37 = arith.constant 9760 : i32
    %add3A_38 = arith.addi %mul3A_2, %add3A_37 : i32
    %dma_wait3A_39 = arith.constant 0 : i32
    %dma_wait3A_40 = tpu.memref_slice %arg4[%add3A_38, %dma_wait3A_39] : memref<320000x128xf32, #tpu.memory_space<hbm>> -> memref<80x128xf32, #tpu.memory_space<hbm>>
    %dma_wait3A_41 = arith.constant 0 : i32
    %dma_wait3A_42 = tpu.memref_slice %arg4[%add3A_38, %dma_wait3A_41] : memref<320000x128xf32, #tpu.memory_space<hbm>> -> memref<80x128xf32, #tpu.memory_space<hbm>>
    tpu.wait_dma2 semaphore(%arg18 : memref<!tpu.dma_semaphore, #tpu.memory_space<semaphore_mem>>) src(%arg8 : memref<80x128xf32, #tpu.memory_space<vmem>>) dst(%dma_wait3A_42 : memref<80x128xf32, #tpu.memory_space<hbm>>)
    %add3A_43 = arith.constant 9840 : i32
    %add3A_44 = arith.addi %mul3A_2, %add3A_43 : i32
    %dma_wait3A_45 = arith.constant 0 : i32
    %dma_wait3A_46 = tpu.memref_slice %arg4[%add3A_44, %dma_wait3A_45] : memref<320000x128xf32, #tpu.memory_space<hbm>> -> memref<80x128xf32, #tpu.memory_space<hbm>>
    %dma_wait3A_47 = arith.constant 0 : i32
    %dma_wait3A_48 = tpu.memref_slice %arg4[%add3A_44, %dma_wait3A_47] : memref<320000x128xf32, #tpu.memory_space<hbm>> -> memref<80x128xf32, #tpu.memory_space<hbm>>
    tpu.wait_dma2 semaphore(%arg19 : memref<!tpu.dma_semaphore, #tpu.memory_space<semaphore_mem>>) src(%arg9 : memref<80x128xf32, #tpu.memory_space<vmem>>) dst(%dma_wait3A_48 : memref<80x128xf32, #tpu.memory_space<hbm>>)
    %add3A_49 = arith.constant 9920 : i32
    %add3A_50 = arith.addi %mul3A_2, %add3A_49 : i32
    %dma_wait3A_51 = arith.constant 0 : i32
    %dma_wait3A_52 = tpu.memref_slice %arg4[%add3A_50, %dma_wait3A_51] : memref<320000x128xf32, #tpu.memory_space<hbm>> -> memref<80x128xf32, #tpu.memory_space<hbm>>
    %dma_wait3A_53 = arith.constant 0 : i32
    %dma_wait3A_54 = tpu.memref_slice %arg4[%add3A_50, %dma_wait3A_53] : memref<320000x128xf32, #tpu.memory_space<hbm>> -> memref<80x128xf32, #tpu.memory_space<hbm>>
    tpu.wait_dma2 semaphore(%arg20 : memref<!tpu.dma_semaphore, #tpu.memory_space<semaphore_mem>>) src(%arg10 : memref<80x128xf32, #tpu.memory_space<vmem>>) dst(%dma_wait3A_54 : memref<80x128xf32, #tpu.memory_space<hbm>>)
    return
  }
}

module attributes {stable_mosaic.version = 14 : i64} {
  func.func @_mm_body(%arg0: i32, %arg1: memref<2000x128xf32, #tpu.memory_space<vmem>>, %arg2: memref<128x128xf32, #tpu.memory_space<vmem>>, %arg3: memref<8x128xf32, #tpu.memory_space<vmem>>, %arg4: memref<2000x128xf32, #tpu.memory_space<vmem>>) attributes {dimension_semantics = [#tpu.dimension_semantics<arbitrary>], iteration_bounds = array<i64: 5>, scalar_prefetch = 0 : i64, scratch_operands = 0 : i64, tpu.core_type = #tpu.core_type<tc>, window_params = [{transform_indices = @transform_0, window_bounds = array<i64: 2000, 128>}, {pipeline_mode = #tpu.pipeline_mode<synchronous>, transform_indices = @transform_1, window_bounds = array<i64: 128, 128>}, {pipeline_mode = #tpu.pipeline_mode<synchronous>, transform_indices = @transform_2, window_bounds = array<i64: 8, 128>}, {transform_indices = @transform_3, window_bounds = array<i64: 2000, 128>}]} {
    %get3A = arith.constant 0 : index
    %get3A_0 = arith.constant 0 : index
    %get3A_1 = vector.load %arg1[%get3A, %get3A_0] : memref<2000x128xf32, #tpu.memory_space<vmem>>, vector<2000x128xf32>
    %get3A_2 = arith.constant 0 : index
    %get3A_3 = arith.constant 0 : index
    %get3A_4 = vector.load %arg2[%get3A_2, %get3A_3] : memref<128x128xf32, #tpu.memory_space<vmem>>, vector<128x128xf32>
    %dot_general3A = arith.constant dense<0.000000e+00> : vector<2000x128xf32>
    %dot_general3A_5 = tpu.matmul %get3A_1, %get3A_4, %dot_general3A {dimension_numbers = #tpu.dot_dimension_numbers<[1], [1], [0], [0], [0, 0, 1, 0], [], []>, transpose_lhs_hint = false} : vector<2000x128xf32>, vector<128x128xf32>, vector<2000x128xf32> -> vector<2000x128xf32>
    %get3A_6 = arith.constant 0 : index
    %get3A_7 = arith.constant 0 : index
    %get3A_8 = vector.load %arg3[%get3A_6, %get3A_7] : memref<8x128xf32, #tpu.memory_space<vmem>>, vector<1x128xf32>
    %add3A = vector.broadcast %get3A_8 : vector<1x128xf32> to vector<2000x128xf32>
    %add3A_9 = arith.addf %dot_general3A_5, %add3A : vector<2000x128xf32>
    %swap3A = arith.constant 0 : index
    %swap3A_10 = arith.constant 0 : index
    %swap3A_11 = vector.load %arg4[%swap3A, %swap3A_10] : memref<2000x128xf32, #tpu.memory_space<vmem>>, vector<2000x128xf32>
    tpu.vector_store %arg4[%swap3A, %swap3A_10], %add3A_9 {strides = array<i32>} : memref<2000x128xf32, #tpu.memory_space<vmem>>, vector<2000x128xf32>,
    return
  }
  func.func @transform_0(%arg0: i32) -> (i32, i32) {
    %c0_i32 = arith.constant 0 : i32
    %c0_i32_0 = arith.constant 0 : i32
    return %arg0, %c0_i32 : i32, i32
  }
  func.func @transform_1(%arg0: i32) -> (i32, i32) {
    %c0_i32 = arith.constant 0 : i32
    %c0_i32_0 = arith.constant 0 : i32
    %c0_i32_1 = arith.constant 0 : i32
    return %c0_i32, %c0_i32_0 : i32, i32
  }
  func.func @transform_2(%arg0: i32) -> (i32, i32) {
    %c0_i32 = arith.constant 0 : i32
    %c0_i32_0 = arith.constant 0 : i32
    %c0_i32_1 = arith.constant 0 : i32
    return %c0_i32, %c0_i32_0 : i32, i32
  }
  func.func @transform_3(%arg0: i32) -> (i32, i32) {
    %c0_i32 = arith.constant 0 : i32
    %c0_i32_0 = arith.constant 0 : i32
    return %arg0, %c0_i32 : i32, i32
  }
}

</mosaic_0001>

<sc_bundles>
// kernel: kernel.4.cloned.1.call-start
scs
__scs_entry_jumppad:
0x0: {  	(pc) =	sbr.rel $0x88, $3  }
0x1: {  	(tag) =	ssettag $0x0;
	lr =	simm.s32 $0x1  }
0x2: {  	[smem:$0x3F9D] =	sst lr;
	_ =	strace $0xD0000000  }
0x3: {  	_ = 	snop  }
0x4: {  	_ = 	snop  }
0x5: {  	_ = 	snop  }
0x6: {  	_ = 	snop  }
0x7: {  	_ = 	snop  }
__scs_overlays_trampoline_lowered:
0x8: {  	[smem:$0x3FAC] =	sst s0  }
0x9: {  	[smem:$0x3FAD] =	sst s1  }
0xa: {  	[smem:$0x3FAE] =	sst s2  }
0xb: {  	[smem:$0x3FAF] =	sst s3  }
0xc: {  	[smem:$0x3FB0] =	sst s4  }
0xd: {  	[smem:$0x3FB1] =	sst s5  }
0xe: {  	[smem:$0x3FB2] =	sst s6  }
0xf: {  	[smem:$0x3FB3] =	sst s7  }
0x10: {  	[smem:$0x3FB4] =	sst s8  }
0x11: {  	[smem:$0x3FB5] =	sst s9;
	s0 =	simm.s32 @!p0 $0x0  }
0x12: {  	s1 =	sld [smem:$0x3F9B];
	s0 =	simm.s32 @p0 $0x1  }
0x13: {  	[smem:$0x3FB6] =	sst s0;
	s0 =	simm.s32 @!p1 $0x0  }
0x14: {  	s2 =	sld [smem:$0x3F9A];
	s0 =	simm.s32 @p1 $0x1  }
0x15: {  	[smem:$0x3FB7] =	sst s0;
	s0 =	simm.s32 @!p2 $0x0  }
0x16: {  	s3 =	sld [smem:$0x3FDB];
	s0 =	simm.s32 @p2 $0x1  }
0x17: {  	s4 =	simm.s32 $0x1BF5;
	[smem:$0x3FB9] =	sst s0  }
0x18: {  	s0 =	sld [smem:$0x3F9C];
	_ =	swait.ge [sflag:s4], $0x0  }
0x19: {  	s7 =	sld [smem:$0x3F9D]  }
0x1a: {  	s8 =	sadd.s32 $0xFFFFE003, lr  }
0x1b: {  	s9 =	sadd.s32 $0xFFFFFEF7, lr;
	s5 =	simm.s32 $0xFFFFFFFF;
	p2 =	slt.u32 s8, $0xFFFFF086  }
0x1c: {  	p1 =	slt.u32 s9, $0xF7A;
	s5 =	simm.s32 @!p2 $0x0  }
0x1d: {  	s5 =	simm.s32 @p1 $0x1;
	p0 =	seq.s32 s7, s2  }
0x1e: {  	s7 =	smul.u32 @!p0 $0xF7A, s2;
	p2 =	seq.s32 @!p0 s5, $0x0  }
0x1f: {  	s9 =	smul.u32 $0xF7A, s1;
	s8 =	simm.s32 @!p0 $0x1BF5;
	p2 =	por !p2, p0  }
0x20: {  	[sflag:s8] =	ssyncset.s32 @!p0 $0xFFFFF086;
	s6 =	sadd.s32 @!p0 s3, s7;
	s7 =	simm.s32 @!p0 $0x108  }
0x21: {  	s3 =	sadd.s32 s3, s9;
	s6 =	sadd.s32 @!p0 $0x88, s6;
	s7 =	simm.s32 @p2 $0x1082  }
0x22: {  	[simem:s7], [sflag:s8] =	dma.local @!p0 [hbm:s6], $0xF7A  }
0x23: {  	s9 =	sor.u32 $0xD0000000, s2;
	s6 =	simm.s32 $0x108;
	_ =	swait.ge @!p0 [sflag:s8], $0x0  }
0x24: {  	s3 =	sadd.s32 $0x88, s3;
	s6 =	simm.s32 @!p1 $0x1082;
	[sflag:s4] =	ssyncset.s32 $0xFFFFF086  }
0x25: {  	[simem:s6], [sflag:s4] =	dma.local [hbm:s3], $0xF7A  }
0x26: {  	[smem:$0x3F9D] =	sst s1;
	(tag) =	ssettag s2;
	_ =	strace s9  }
0x27: {  	s1 =	sld [smem:$0x3FAD]  }
0x28: {  	s2 =	sld [smem:$0x3FAE]  }
0x29: {  	s4 =	sld [smem:$0x3FB0]  }
0x2a: {  	p0 =	seq.s32 s5, $0x0;
	s5 =	sld [smem:$0x3FB1]  }
0x2b: {  	s6 =	sld [smem:$0x3FB2]  }
0x2c: {  	s7 =	sld [smem:$0x3FB3]  }
0x2d: {  	s3 =	simm.s32 $0x108;
	s8 =	sld [smem:$0x3FB4]  }
0x2e: {  	s3 =	simm.s32 @!p0 $0x1082;
	s9 =	sld [smem:$0x3FB5]  }
0x2f: {  	lr =	sadd.s32 s0, s3;
	s0 =	sld [smem:$0x3FAC]  }
0x30: {  	s3 =	sld [smem:$0x3FAF]  }
0x31: {  	[smem:$0x3FB8] =	sst s10  }
0x32: {  	s10 =	sld [smem:$0x3FB6];
	_ =	sdelay $0x3  }
0x33: {  	p0 =	seq.s32 s10, $0x1;
	s10 =	sld [smem:$0x3FB8];
	_ =	sdelay $0x3  }
0x34: {  	[smem:$0x3FB8] =	sst s10  }
0x35: {  	s10 =	sld [smem:$0x3FB7];
	_ =	sdelay $0x3  }
0x36: {  	p1 =	seq.s32 s10, $0x1;
	s10 =	sld [smem:$0x3FB8];
	_ =	sdelay $0x3  }
0x37: {  	[smem:$0x3FB8] =	sst s10  }
0x38: {  	s10 =	sld [smem:$0x3FB9]  }
0x39: {  	_ = 	snop;
	(pc) =	sbr.ind lr, $3  }
0x3a: {  	_ = 	snop  }
0x3b: {  	_ = 	snop  }
0x3c: {  	p2 =	seq.s32 s10, $0x1;
	s10 =	sld [smem:$0x3FB8]  }
0x3d: {  	_ =	shalt  }
0x3e: {  	_ =	shalt  }
0x3f: {  	_ =	shalt  }
0x40: {  	_ =	shalt  }
0x41: {  	_ =	shalt  }
0x42: {  	_ =	shalt  }
0x43: {  	_ =	shalt  }
0x44: {  	_ =	shalt  }
0x45: {  	_ =	shalt  }
0x46: {  	_ =	shalt  }
0x47: {  	_ =	shalt  }
0x48: {  	_ =	shalt  }
0x49: {  	_ =	shalt  }
0x4a: {  	_ =	shalt  }
0x4b: {  	_ =	shalt  }
0x4c: {  	_ =	shalt  }
0x4d: {  	_ =	shalt  }
0x4e: {  	_ =	shalt  }
0x4f: {  	_ =	shalt  }
0x50: {  	_ =	shalt  }
0x51: {  	_ =	shalt  }
0x52: {  	_ =	shalt  }
0x53: {  	_ =	shalt  }
0x54: {  	_ =	shalt  }
0x55: {  	_ =	shalt  }
0x56: {  	_ =	shalt  }
0x57: {  	_ =	shalt  }
0x58: {  	_ =	shalt  }
0x59: {  	_ =	shalt  }
0x5a: {  	_ =	shalt  }
0x5b: {  	_ =	shalt  }
0x5c: {  	_ =	shalt  }
0x5d: {  	_ =	shalt  }
0x5e: {  	_ =	shalt  }
0x5f: {  	_ =	shalt  }
0x60: {  	_ =	shalt  }
0x61: {  	_ =	shalt  }
0x62: {  	_ =	shalt  }
0x63: {  	_ =	shalt  }
0x64: {  	_ =	shalt  }
0x65: {  	_ =	shalt  }
0x66: {  	_ =	shalt  }
0x67: {  	_ =	shalt  }
0x68: {  	_ =	shalt  }
0x69: {  	_ =	shalt  }
0x6a: {  	_ =	shalt  }
0x6b: {  	_ =	shalt  }
0x6c: {  	_ =	shalt  }
0x6d: {  	_ =	shalt  }
0x6e: {  	_ =	shalt  }
0x6f: {  	_ =	shalt  }
0x70: {  	_ =	shalt  }
0x71: {  	_ =	shalt  }
0x72: {  	_ =	shalt  }
0x73: {  	_ =	shalt  }
0x74: {  	_ =	shalt  }
0x75: {  	_ =	shalt  }
0x76: {  	_ =	shalt  }
0x77: {  	_ =	shalt  }
0x78: {  	_ =	shalt  }
0x79: {  	_ =	shalt  }
0x7a: {  	_ =	shalt  }
0x7b: {  	_ =	shalt  }
0x7c: {  	_ =	shalt  }
0x7d: {  	_ =	shalt  }
0x7e: {  	_ =	shalt  }
0x7f: {  	_ =	shalt  }
0x80: {  	_ =	shalt  }
0x81: {  	_ =	shalt  }
0x82: {  	_ =	shalt  }
0x83: {  	_ =	shalt  }
0x84: {  	_ =	shalt  }
0x85: {  	_ =	shalt  }
0x86: {  	_ =	shalt  }
0x87: {  	_ =	shalt  }
.Lfunc_end0:
.L_simem_size_0:
called_computation_lowered:
.L_overlay_start_0:
0x88: {  	s2 =	sld [smem:$0x3FD9]  }
0x89: {  	s3 =	sld [smem:$0x3FFE];
	_ =	sdelay $0x1  }
0x8a: {  	s1 =	srdreg.scid  }
0x8b: {  	s0 =	sand.u32 $0x1, s1  }
0x8c: {  	s17 =	sshll.u32 s0, $0xA;
	s2 =	sadd.s32 s3, s2  }
0x8d: {  	s2 =	sadd.s32 s2, s17  }
0x8e: {  	[smem:$0x3FC4] =	sst s2  }
0x8f: {  	_ = 	snop  }
0x90: {  	s2 =	sld [smem:$0x3FD0];
	(tm) =	ssettm $0x1  }
0x91: {  	s18 =	sld [smem:$0x3FFB];
	_ =	sdelay $0x3  }
0x92: {  	_ =	strace s18  }
0x93: {  	s3 =	sld [smem:$0x3FFC];
	_ =	sdelay $0x3  }
0x94: {  	_ =	strace s3  }
0x95: {  	s3 =	sld [smem:$0x3FFD];
	_ =	sdelay $0x3  }
0x96: {  	_ =	strace s3  }
0x97: {  	_ =	strace $0x8FFFFFFF  }
0x98: {  	s19 =	sld [smem:$0x3FDB];
	_ =	sdelay $0x1  }
0x99: {  	s4 =	simm.s32 $_scs_section_size  }
0x9a: {  	s5 =	simm.s32 $_size__tile_overlayer_lowered;
	s6 =	simm.s32 $_tile_overlayer_lowered  }
0x9b: {  	s22 =	simm.s32 $0x1BFF;
	s21 =	sshll.u32 s6, $0x1;
	s3 =	sadd.s32 s4, s19  }
0x9c: {  	s7 =	simm.s32 $0x0;
	s20 =	sshll.u32 s5, $0x1;
	s5 =	sadd.s32 s21, s3  }
0x9d: {  	[timem:s7], [sflag:s22] =	dma.local [hbm:s5], s20  }
0x9e: {  	_ =	swait.ge [sflag:s22], s20  }
0x9f: {  	s4 =	ssub.s32 $0x0, s20;
	[sflag:s22] =	ssyncset.done $0x0  }
0xa0: {  	[sflag:s22] =	ssyncadd.s32 s4;
	_ =	sdelay $0x1  }
0xa1: {  	s23 =	simm.s32 $0x1B8B  }
0xa2: {  	_ =	swait.ge [sflag:s23], $0x1  }
0xa3: {  	[sflag:s23] =	ssyncset.done $0x0  }
0xa4: {  	s25 =	simm.s32 $0x1B8E;
	s24 =	sld [smem:$0x3FFE];
	[sflag:s23] =	ssyncadd.s32 $0xFFFFFFFF  }
0xa5: {  	s26 =	simm.s32 $execute0_lowered;
	[smem:$0x3FD2] =	sst s25  }
0xa6: {  	s5 =	sshll.u32 s26, $0x1;
	_ =	strace $0x80000046;
	[dreg:$0x1] =	wrdreg $0xFFFFFFFF  }
0xa7: {  	s28 =	simm.s32 $_size_execute0_lowered;
	s3 =	sadd.s32 s3, s5;
	[dreg:$0x0] =	wrdreg $0x0  }
0xa8: {  	s5 =	sshll.u32 s28, $0x1;
	[dreg:$0x2] =	wrdreg s3  }
0xa9: {  	[dreg:$0x3] =	wrdreg s5  }
0xaa: {  	[dreg:$0x4] =	wrdreg $0xC0  }
0xab: {  	_ =	task [dreg:s7], $0x5FFFF  }
0xac: {  	[dreg:$0x1] =	wrdreg $0xFFFFFFFF  }
0xad: {  	[dreg:$0x0] =	wrdreg $0x60  }
0xae: {  	[dreg:$0x2] =	wrdreg s24  }
0xaf: {  	[dreg:$0x3] =	wrdreg s2  }
0xb0: {  	[dreg:$0x4] =	wrdreg $0x9  }
0xb1: {  	_ =	task.clear_ibuf [dreg:s7], $0x5FFFF;
	_ =	strace $0x90000046  }
0xb2: {  	s29 =	simm.s32 $0x9;
	_ =	strace $0x80000048  }
0xb3: {  	_ =	swait.ge [sflag:s29], $0x1  }
0xb4: {  	[sflag:s29] =	ssyncadd.s32 $0xFFFFFFFF  }
0xb5: {  	_ =	strace $0x90000048  }
0xb6: {  	_ =	sfence  }
0xb7: {  	s30 =	sld [smem:$0x0];
	_ =	sdelay $0x2  }
0xb8: {  	s31 =	sshll.u32 s1, $0xD;
	s1 =	sshrl.u32 s1, $0x2  }
0xb9: {  	s3 =	sand.u32 $0x4000, s31;
	s1 =	sadd.s32 s1, s30  }
0xba: {  	s0 =	sor.u32 s3, s0;
	s1 =	sshll.u32 s1, $0x11  }
0xbb: {  	s0 =	sor.u32 s1, s0  }
0xbc: {  	s0 =	sadd.s32 $0x8F2B, s0  }
0xbd: {  	[sflag:s0] =	ssyncadd.remote.s32 $0x1  }
0xbe: {  	_ =	sfence.sel $0xFFFF  }
0xbf: {  	[dreg:$0x0] =	wrdreg $0xFFFFFFFF;
	(pc) =	sbr.abs _section_cstart, $3  }
0xc0: {  	[dreg:$0x1] =	wrdreg $0xFFFFFFFF  }
0xc1: {  	_ =	task.clear_ibuf [dreg:s7], $0x2FFFF;
	_ =	strace $0x9FFFFFFF  }
0xc2: {  	(tm) =	ssettm $0x7FFFFFFF  }
0xc3: {  	_ =	shalt  }
tec
execute0_lowered:
.L_overlay_start_1:
0x0: {  	(tag) =	ssettag $0x1  }
0x1: {  	s4 =	rddreg [dreg:$0x0]  }
0x2: {  	s1 =	srdreg.scid;
	s0 =	stileid.u32  }
0x3: {  	s6 =	rddreg [dreg:$0x1];
	s2 =	simm.s32 $0x0;
	s14 =	simm.s32 $0xF0  }
0x4: {  	s15 =	simm.s32 $0x9F80;
	s16 =	simm.s32 $0x1;
	s17 =	simm.s32 $0xC780  }
0x5: {  	s18 =	simm.s32 $0x2;
	s19 =	simm.s32 $0x4;
	s20 =	simm.s32 $0x5  }
0x6: {  	s21 =	simm.s32 $0x6;
	s22 =	simm.s32 $0x7;
	s23 =	simm.s32 $0x8  }
0x7: {  	s24 =	simm.s32 $0x9;
	s25 =	simm.s32 $0xA;
	s26 =	simm.s32 $0x0  }
0x8: {  	s5 =	sand.u32 $0x1, s1;
	s3 =	sshll.u32 s0, $0x1;
	s10 =	smul.u32 $0x4E200, s0  }
0x9: {  	[smem:$0x7FF] =	sst s2;
	s7 =	sor.u32 s5, s3;
	s11 =	smul.u32 $0x27100, s5  }
0xa: {  	_ =	strace $0x80000047;
	s9 =	ssub.s32 $0x2, s5;
	s8 =	smul.u32 $0x2710, s7  }
0xb: {  	s3 =	sadd.s32 $0xA600, s4;
	s7 =	smul.u32 $0x27100, s7;
	s28 =	sshrl.u32 s9, $0x1  }
.Ltmp0:
0xc: {  	s30 =	sadd.s32 s10, s6;
	s10 =	simm.s32 $0x2780;
	(pc) =	sbr.rel .LBB2_1-.Ltmp0, $4  }
0xd: {  	s29 =	ssub.s32 s9, s28;
	s31 =	sadd.s32 s11, s30;
	s9 =	simm.s32 $0x50  }
0xe: {  	s11 =	simm.s32 $0x4F80;
	s8 =	sshrl.u32 s8, $0x3;
	s5 =	smax.u32 s29, $0x1  }
0xf: {  	s6 =	sadd.s32 s6, s7;
	s7 =	sadd.s32 $0xA00, s31;
	s4 =	sadd.s32 s8, s4  }
0x10: {  	s6 =	sadd.s32 $0x26200, s6;
	s8 =	simm.s32 $0xB;
	s4 =	sadd.s32 $0x800, s4  }
.LBB2_4:
0x11: {  	_ =	swait.ge [sflag:s21], $0x2800  }
0x12: {  	[sflag:s21] =	ssyncset.done $0x0  }
0x13: {  	[sflag:s21] =	ssyncadd.s32 $0xFFFFD800  }
0x14: {  	_ =	swait.ge [sflag:s22], $0x2800  }
0x15: {  	[sflag:s22] =	ssyncset.done $0x0  }
0x16: {  	[sflag:s22] =	ssyncadd.s32 $0xFFFFD800  }
0x17: {  	_ =	swait.ge [sflag:s23], $0x2800  }
0x18: {  	[sflag:s23] =	ssyncset.done $0x0  }
0x19: {  	s26 =	sadd.s32 $0x1, s26;
	[sflag:s23] =	ssyncadd.s32 $0xFFFFD800  }
0x1a: {  	p0 =	sne.s32 s26, s5;
	_ =	swait.ge [sflag:s24], $0x2800  }
.Ltmp1:
0x1b: {  	[sflag:s24] =	ssyncset.done $0x0;
	(pc) =	sbr.rel @!p0 .LBB2_5-.Ltmp1, $4  }
0x1c: {  	[sflag:s24] =	ssyncadd.s32 $0xFFFFD800  }
0x1d: {  	_ =	swait.ge [sflag:s25], $0x2800  }
0x1e: {  	[sflag:s25] =	ssyncset.done $0x0  }
0x1f: {  	[sflag:s25] =	ssyncadd.s32 $0xFFFFD800  }
.LBB2_1:
0x20: {  	[tilespmem:s2], [sflag:$0xB] =	stream.linear.gather [hbm4b:s4+s2], $0x2710, $0x38;
	[tilespmem:$0xEF80] =	vst v63  }
0x21: {  	_ =	swait.ge [sflag:s8], $0x2710  }
0x22: {  	[sflag:s8] =	ssyncset.done $0x0  }
0x23: {  	[sflag:s8] =	ssyncadd.s32 $0xFFFFD8F0  }
0x24: {  	[tilespmem:s10], [sflag:$0x1] =	stream.indirect.gather [hbm4b:s3+s9], $0x80, s2, s9, $0xb8;
	[tilespmem:$0xEF80] =	vst v63  }
0x25: {  	_ = 	snop  }
0x26: {  	[tilespmem:s11], [sflag:$0x2] =	stream.indirect.gather [hbm4b:s3+s9], $0x80, s9, s9, $0xb8;
	[tilespmem:$0xEF80] =	vst v63  }
0x27: {  	s0 =	simm.s32 $0xA0;
	s1 =	simm.s32 $0x7780  }
0x28: {  	[tilespmem:s1], [sflag:$0x3] =	stream.indirect.gather [hbm4b:s3+s9], $0x80, s0, s9, $0xb8;
	[tilespmem:$0xEF80] =	vst v63  }
0x29: {  	s28 =	smov.u32 s7;
	s29 =	simm.s32 $0x0  }
0x2a: {  	[tilespmem:s15], [sflag:$0x4] =	stream.indirect.gather [hbm4b:s3+s9], $0x80, s14, s9, $0xb8;
	[tilespmem:$0xEF80] =	vst v63  }
.LBB2_2:
0x2b: {  	_ =	swait.ge [sflag:s16], $0x2800  }
0x2c: {  	p0 =	seq.s32 s29, $0x0;
	[sflag:s16] =	ssyncset.done $0x0  }
0x2d: {  	s30 =	sadd.s32 $0xFFFFF600, s28;
	s31 =	simm.s32 @!p0 $0xA;
	[sflag:s16] =	ssyncadd.s32 $0xFFFFD800  }
0x2e: {  	[hbm4b:s30+s2] =	stream.linear.scatter [tilespmem:s10], [sflag:$0x6], $0x2800, $0x38;
	[tilespmem:$0xEF80] =	vst v63  }
0x2f: {  	_ =	swait.ge @!p0 [sflag:s31], $0x2800  }
0x30: {  	s30 =	sshra.s32 s29, $0x2;
	[sflag:s31] =	ssyncset.done @!p0 $0x0  }
0x31: {  	s1 =	sadd.s32 $0x140, s30;
	[sflag:s31] =	ssyncadd.s32 @!p0 $0xFFFFD800  }
0x32: {  	[tilespmem:s17], [sflag:$0x5] =	stream.indirect.gather [hbm4b:s3+s9], $0x80, s1, s9, $0xb8;
	[tilespmem:$0xEF80] =	vst v63  }
0x33: {  	_ =	swait.ge [sflag:s18], $0x2800  }
0x34: {  	p0 =	seq.s32 s29, $0x9600;
	[sflag:s18] =	ssyncset.done $0x0  }
0x35: {  	s12 =	sadd.s32 $0xFFFFFB00, s28;
	s31 =	simm.s32 @p0 $0x3;
	[sflag:s18] =	ssyncadd.s32 $0xFFFFD800  }
0x36: {  	[hbm4b:s12+s2] =	stream.linear.scatter [tilespmem:s11], [sflag:$0x7], $0x2800, $0x38;
	[tilespmem:$0xEF80] =	vst v63  }
0x37: {  	_ =	swait.ge @p0 [sflag:s31], $0x2800  }
0x38: {  	[sflag:s31] =	ssyncset.done @p0 $0x0  }
0x39: {  	s1 =	simm.s32 @p0 $0x7780;
	[sflag:s31] =	ssyncadd.s32 @p0 $0xFFFFD800;
	s31 =	simm.s32 @p0 $0x0  }
0x3a: {  	[hbm4b:s6+s31] =	stream.linear.scatter @p0 [tilespmem:s1], [sflag:$0x8], $0x2800, $0x38;
	[tilespmem:$0xEF80] =	vst v63  }
0x3b: {  	s1 =	simm.s32 @!p0 $0x6  }
0x3c: {  	_ =	swait.ge @!p0 [sflag:s1], $0x2800  }
0x3d: {  	[sflag:s1] =	ssyncset.done @!p0 $0x0  }
0x3e: {  	[sflag:s1] =	ssyncadd.s32 @!p0 $0xFFFFD800;
	s1 =	sshra.s32 @!p0 s29, $0x2  }
0x3f: {  	s0 =	simm.s32 @!p0 $0x50;
	s12 =	simm.s32 @!p0 $0x2780;
	s31 =	sadd.s32 @!p0 $0x190, s1  }
0x40: {  	[tilespmem:s12], [sflag:$0x1] =	stream.indirect.gather @!p0 [hbm4b:s3+s0], $0x80, s31, s0, $0xb8;
	[tilespmem:$0xEF80] =	vst v63  }
0x41: {  	s12 =	simm.s32 @!p0 $0x3  }
0x42: {  	_ =	swait.ge @!p0 [sflag:s12], $0x2800  }
0x43: {  	[sflag:s12] =	ssyncset.done @!p0 $0x0  }
0x44: {  	s31 =	simm.s32 @!p0 $0x7780;
	[sflag:s12] =	ssyncadd.s32 @!p0 $0xFFFFD800;
	s12 =	simm.s32 @!p0 $0x0  }
0x45: {  	[hbm4b:s28+s12] =	stream.linear.scatter @!p0 [tilespmem:s31], [sflag:$0x8], $0x2800, $0x38;
	[tilespmem:$0xEF80] =	vst v63  }
0x46: {  	s12 =	simm.s32 @!p0 $0x7  }
0x47: {  	_ =	swait.ge @!p0 [sflag:s12], $0x2800  }
0x48: {  	[sflag:s12] =	ssyncset.done @!p0 $0x0  }
0x49: {  	s13 =	simm.s32 @!p0 $0x4F80;
	[sflag:s12] =	ssyncadd.s32 @!p0 $0xFFFFD800;
	s12 =	sadd.s32 @!p0 $0x1E0, s1  }
0x4a: {  	[tilespmem:s13], [sflag:$0x2] =	stream.indirect.gather @!p0 [hbm4b:s3+s0], $0x80, s12, s0, $0xb8;
	[tilespmem:$0xEF80] =	vst v63  }
0x4b: {  	_ =	swait.ge [sflag:s19], $0x2800  }
0x4c: {  	[sflag:s19] =	ssyncset.done $0x0  }
0x4d: {  	s13 =	sadd.s32 $0x500, s28;
	s12 =	simm.s32 @!p0 $0x8;
	[sflag:s19] =	ssyncadd.s32 $0xFFFFD800  }
0x4e: {  	[hbm4b:s13+s2] =	stream.linear.scatter [tilespmem:s15], [sflag:$0x9], $0x2800, $0x38;
	[tilespmem:$0xEF80] =	vst v63  }
0x4f: {  	_ =	swait.ge @!p0 [sflag:s12], $0x2800  }
0x50: {  	[sflag:s12] =	ssyncset.done @!p0 $0x0  }
0x51: {  	s1 =	sadd.s32 @!p0 $0x230, s1;
	[sflag:s12] =	ssyncadd.s32 @!p0 $0xFFFFD800  }
0x52: {  	[tilespmem:s31], [sflag:$0x3] =	stream.indirect.gather @!p0 [hbm4b:s3+s0], $0x80, s1, s0, $0xb8;
	[tilespmem:$0xEF80] =	vst v63  }
.Ltmp2:
0x53: {  	_ = 	snop;
	(pc) =	sbr.rel @p0 .LBB2_4-.Ltmp2, $4  }
0x54: {  	_ =	swait.ge [sflag:s20], $0x2800  }
0x55: {  	[sflag:s20] =	ssyncset.done $0x0  }
0x56: {  	s31 =	sadd.s32 $0xA00, s28;
	[sflag:s20] =	ssyncadd.s32 $0xFFFFD800  }
0x57: {  	[hbm4b:s31+s2] =	stream.linear.scatter [tilespmem:s17], [sflag:$0xA], $0x2800, $0x38;
	[tilespmem:$0xEF80] =	vst v63  }
.Ltmp3:
0x58: {  	(pc) =	sbr.rel .LBB2_2-.Ltmp3, $4  }
0x59: {  	_ =	swait.ge [sflag:s24], $0x2800  }
0x5a: {  	s0 =	sadd.s32 $0x280, s30;
	[sflag:s24] =	ssyncset.done $0x0  }
0x5b: {  	s29 =	sadd.s32 $0x640, s29;
	s28 =	sadd.s32 $0x1900, s28;
	[sflag:s24] =	ssyncadd.s32 $0xFFFFD800  }
0x5c: {  	[tilespmem:s15], [sflag:$0x4] =	stream.indirect.gather [hbm4b:s3+s9], $0x80, s0, s9, $0xb8;
	[tilespmem:$0xEF80] =	vst v63  }
.LBB2_5:
0x5d: {  	_ =	sfence.sel $0x180000  }
0x5e: {  	[bflag:$0x0] =	sbarrier.arrive $0xFFFF  }
0x5f: {  	_ =	strace $0x90000047  }
0x60: {  	s0 =	stileid.u32;
	[bflag:$0x2] =	sbarrier.arrive $0xFFFF  }
0x61: {  	p0 =	sne.s32 s0, $0x0;
	s0 =	rddreg [dreg:$0x2]  }
0x62: {  	s0 =	sadd.s32 @!p0 $0x100000, s0  }
0x63: {  	[sflag:s0] =	ssyncadd.tile.s32 @!p0 $0x1;
	_ =	shalt  }
.Lfunc_end2:
_tile_overlayer_lowered:
.L_overlay_start_2:
0x64: {  	(tag) =	ssettag $0x2  }
0x65: {  	s0 =	rddreg [dreg:$0x0];
	s2 =	stileid.u32  }
0x66: {  	s1 =	rddreg [dreg:$0x1];
	p0 =	sne.s32 s2, $0x0  }
0x67: {  	s3 =	rddreg [dreg:$0x2];
	[bflag:$0x3] =	sbarrier.arrive $0xFFFF;
	s2 =	simm.s32 @!p0 $0x1C0B  }
0x68: {  	[timem:s3], [sflag:s2] =	dma.local @!p0 [hbm:s0], s1  }
0x69: {  	s0 =	simm.s32 @!p0 $0xB  }
0x6a: {  	_ =	swait.ge @!p0 [sflag:s0], s1  }
0x6b: {  	s1 =	ssub.s32 @!p0 $0x0, s1;
	[sflag:s0] =	ssyncset.done @!p0 $0x0  }
0x6c: {  	[sflag:s0] =	ssyncadd.s32 @!p0 s1  }
0x6d: {  	[bflag:$0x3] =	sbarrier.arrive $0xFFFF  }
0x6e: {  	_ =	shalt  }

</sc_bundles>
